<compile_context>
chip_gen: v7x
topology: tpu7x:2x2x1
jax: 0.10.2.dev20260603
libtpu: 0.0.44.dev20260713+nightly
codegen_flags: <defaults>
</compile_context>

<pallas_src>
import jax
import jax.numpy as jnp
from jax import lax
from jax.experimental import layout as jex_layout
from jax.experimental import pallas as pl
from jax.experimental.pallas import tpu as pltpu
from jax.experimental.pallas import tpu_sc as plsc

BATCH = 4096
SEQ = 200
TOKEN_DIM = 64
VOCAB = 100000
PAD_DIM = 128
NUM_IDX = BATCH * SEQ
NUM_WORKERS = 32
PER_WORKER = NUM_IDX // NUM_WORKERS
CHUNK = 200
N_CHUNKS = PER_WORKER // CHUNK
LANES = 16


def _sc_gather(table_p, flat_code):
    mesh = plsc.VectorSubcoreMesh(core_axis_name="c", subcore_axis_name="s")

    @pl.kernel(
        out_type=jax.ShapeDtypeStruct((NUM_IDX, TOKEN_DIM), table_p.dtype),
        mesh=mesh,
        scratch_types=[
            pltpu.VMEM((CHUNK,), jnp.int32),
            pltpu.VMEM((CHUNK,), jnp.int32),
            pltpu.VMEM((CHUNK, PAD_DIM), jnp.float32),
            pltpu.VMEM((CHUNK, PAD_DIM), jnp.float32),
            pltpu.VMEM((CHUNK, TOKEN_DIM), jnp.float32),
            pltpu.VMEM((CHUNK, TOKEN_DIM), jnp.float32),
            pltpu.SemaphoreType.DMA,
            pltpu.SemaphoreType.DMA,
            pltpu.SemaphoreType.DMA,
            pltpu.SemaphoreType.DMA,
        ],
    )
    def gather_kernel(table_hbm, idx_hbm, out_hbm, idx0, idx1,
                      rows0, rows1, cmp0, cmp1,
                      sem_g0, sem_g1, sem_o0, sem_o1):
        wid = lax.axis_index("s") * 2 + lax.axis_index("c")
        base = wid * PER_WORKER
        idxs = (idx0, idx1)
        rows = (rows0, rows1)
        cmps = (cmp0, cmp1)
        sem_g = (sem_g0, sem_g1)
        sem_o = (sem_o0, sem_o1)

        def start_gather(c, b):
            pltpu.sync_copy(idx_hbm.at[pl.ds(base + c * CHUNK, CHUNK)],
                            idxs[b])
            pltpu.async_copy(table_hbm.at[idxs[b]], rows[b], sem_g[b])

        def wait_gather(b):
            pltpu.make_async_copy(
                table_hbm.at[idxs[b]], rows[b], sem_g[b]).wait()

        def compact(b):
            @plsc.parallel_loop(0, CHUNK, unroll=4)
            def _(i):
                for k in range(TOKEN_DIM // LANES):
                    cmps[b][i, pl.ds(k * LANES, LANES)] = (
                        rows[b][i, pl.ds(k * LANES, LANES)])

        def start_out(c, b):
            pltpu.async_copy(cmps[b], out_hbm.at[pl.ds(base + c * CHUNK,
                                                       CHUNK)], sem_o[b])

        def wait_out(b):
            pltpu.make_async_copy(
                cmps[b], out_hbm.at[pl.ds(base, CHUNK)], sem_o[b]).wait()

        start_gather(0, 0)

        @pl.loop(0, N_CHUNKS, step=2)
        def _(c):
            start_gather(c + 1, 1)
            wait_gather(0)

            @pl.when(c >= 2)
            def _():
                wait_out(0)
            compact(0)
            start_out(c, 0)

            @pl.when(c + 2 < N_CHUNKS)
            def _():
                start_gather(c + 2, 0)
            wait_gather(1)

            @pl.when(c >= 2)
            def _():
                wait_out(1)
            compact(1)
            start_out(c + 1, 1)

        wait_out(0)
        wait_out(1)

    return gather_kernel(table_p, flat_code)


def kernel(code, mask, table):
    flat_code = code.reshape(NUM_IDX)
    table_p = jnp.pad(table, ((0, 0), (0, PAD_DIM - TOKEN_DIM)))
    table_p = jex_layout.with_layout_constraint(
        table_p, jex_layout.Layout(major_to_minor=(0, 1), tiling=((8,),)))
    out = _sc_gather(table_p, flat_code)
    return out.reshape(BATCH, SEQ, TOKEN_DIM), mask

# --- scband reference (transcript-rebuilt; emitter-appended) ---
"""Pipeline reference for scband-eic-encoder-77799037600205 (READ-ONLY COPY).

The authoritative reference and input builder live on the scoring server;
editing this copy changes nothing except your own understanding.
"""

import jax, jax.numpy as jnp
import numpy as np

VOCAB = 100000
TOKEN_DIM = 64
BATCH = 4096
SEQ = 200

def setup_inputs(seed: int = 0) -> dict:
    key = jax.random.key(seed)
    k1, k2 = jax.random.split(key)
    code = jax.random.randint(k1, (BATCH, SEQ), 0, VOCAB, dtype=jnp.int64 if jax.config.jax_enable_x64 else jnp.int32).astype(jnp.int32)
    mask = jnp.ones((BATCH, SEQ), dtype=jnp.bool_)
    table = jax.random.normal(k2, (VOCAB, TOKEN_DIM), dtype=jnp.float32) * 0.02
    return {"code": code, "mask": mask, "table": table}

def reference(code, mask, table):
    # EicEncoder forward with model_type == 'eic_lstm':
    #   batch[INPUT_ENCODER_MASK_KEY] = batch['mask']  (pass-through)
    #   batch[INPUT_ENCODER_TOKENS_KEY] = self.code_embedder(batch['code'])
    embedded_codes = jnp.take(table, code, axis=0)  # [B, S, D] embedding gather
    return embedded_codes, mask

if __name__ == "__main__":
    import jax
    _d = setup_inputs()
    print(jax.jit(kernel)(*tuple(_d.values())))

</pallas_src>

<mosaic_0001>
#map = affine_map<(d0, d1) -> (0, 0)>
#map1 = affine_map<(d0, d1) -> (0)>
module attributes {stable_mosaic.version = 14 : i64} {
  func.func @gather_kernel(%arg0: i32, %arg1: i32, %arg2: memref<100000x128xf32, #tpu.memory_space<hbm>>, %arg3: memref<819200xi32, #tpu.memory_space<hbm>>, %arg4: memref<819200x64xf32, #tpu.memory_space<hbm>>, %arg5: memref<200xi32, #tpu.memory_space<vmem>>, %arg6: memref<200xi32, #tpu.memory_space<vmem>>, %arg7: memref<200x128xf32, #tpu.memory_space<vmem>>, %arg8: memref<200x128xf32, #tpu.memory_space<vmem>>, %arg9: memref<200x64xf32, #tpu.memory_space<vmem>>, %arg10: memref<200x64xf32, #tpu.memory_space<vmem>>, %arg11: memref<!tpu.dma_semaphore, #tpu.memory_space<semaphore_mem>>, %arg12: memref<!tpu.dma_semaphore, #tpu.memory_space<semaphore_mem>>, %arg13: memref<!tpu.dma_semaphore, #tpu.memory_space<semaphore_mem>>, %arg14: memref<!tpu.dma_semaphore, #tpu.memory_space<semaphore_mem>>) attributes {dimension_semantics = [#tpu.dimension_semantics<core_parallel>, #tpu.dimension_semantics<subcore_parallel>], iteration_bounds = array<i64: 2, 16>, scalar_prefetch = 0 : i64, scratch_operands = 10 : i64, tpu.core_type = #tpu.core_type<sc_vector_subcore>, window_params = [{transform_indices = #map}, {transform_indices = #map1}, {transform_indices = #map}]} {
    %mul3A = arith.constant 2 : i32
    %mul3A_0 = arith.muli %arg1, %mul3A : i32
    %add3A = arith.addi %mul3A_0, %arg0 : i32
    %mul3A_1 = arith.constant 25600 : i32
    %mul3A_2 = arith.muli %add3A, %mul3A_1 : i32
    %add3A_3 = arith.constant 0 : i32
    %add3A_4 = arith.addi %mul3A_2, %add3A_3 : i32
    "tpu.region"() ({
      %run_scoped3A = tpu.sem_alloc : memref<!tpu.dma_semaphore, #tpu.memory_space<semaphore_mem>>
      %dma_start3A_18 = tpu.memref_slice %arg3[%add3A_4] : memref<819200xi32, #tpu.memory_space<hbm>> -> memref<200xi32, #tpu.memory_space<hbm>>
      %dma_start3A_19 = tpu.memref_slice %arg3[%add3A_4] : memref<819200xi32, #tpu.memory_space<hbm>> -> memref<200xi32, #tpu.memory_space<hbm>>
      tpu.enqueue_dma source(%dma_start3A_19 : memref<200xi32, #tpu.memory_space<hbm>>) target(%arg5 : memref<200xi32, #tpu.memory_space<vmem>>) target_semaphore(%run_scoped3A : memref<!tpu.dma_semaphore, #tpu.memory_space<semaphore_mem>>)
      %dma_wait3A_20 = tpu.memref_slice %arg3[%add3A_4] : memref<819200xi32, #tpu.memory_space<hbm>> -> memref<200xi32, #tpu.memory_space<hbm>>
      %dma_wait3A_21 = tpu.memref_slice %arg3[%add3A_4] : memref<819200xi32, #tpu.memory_space<hbm>> -> memref<200xi32, #tpu.memory_space<hbm>>
      tpu.wait_dma2 semaphore(%run_scoped3A : memref<!tpu.dma_semaphore, #tpu.memory_space<semaphore_mem>>) src(%dma_wait3A_21 : memref<200xi32, #tpu.memory_space<hbm>>) dst(%arg5 : memref<200xi32, #tpu.memory_space<vmem>>)
      tpu.yield
    }) : () -> ()
    %dma_start3A = arith.constant 0 : i32
    %dma_start3A_5 = arith.constant 0 : i32
    %dma_start3A_6 = tpu.memref_slice %arg2[%dma_start3A, %dma_start3A_5] : memref<100000x128xf32, #tpu.memory_space<hbm>> -> memref<100000x128xf32, #tpu.memory_space<hbm>>
    tpu.enqueue_indirect_dma source(%dma_start3A_6 : memref<100000x128xf32, #tpu.memory_space<hbm>>) target(%arg7 : memref<200x128xf32, #tpu.memory_space<vmem>>) offsets(%arg5 : memref<200xi32, #tpu.memory_space<vmem>>) semaphore(%arg11 : memref<!tpu.dma_semaphore, #tpu.memory_space<semaphore_mem>>)
    %scan3A = arith.constant 0 : i32
    %scan3A_7 = arith.constant 64 : i32
    %scan3A_8 = arith.addi %scan3A, %scan3A_7 : i32
    %scan3A_9 = arith.constant 1 : i32
    scf.for %scan3A_18 = %scan3A to %scan3A_8 step %scan3A_9  : i32 {
      %mul3A_19 = arith.constant 2 : i32
      %mul3A_20 = arith.muli %scan3A_18, %mul3A_19 : i32
      %add3A_21 = arith.constant 0 : i32
      %add3A_22 = arith.addi %add3A_21, %mul3A_20 : i32
      %add3A_23 = arith.constant 1 : i32
      %add3A_24 = arith.addi %add3A_22, %add3A_23 : i32
      %mul3A_25 = arith.constant 200 : i32
      %mul3A_26 = arith.muli %add3A_24, %mul3A_25 : i32
      %add3A_27 = arith.addi %mul3A_2, %mul3A_26 : i32
      "tpu.region"() ({
        %run_scoped3A = tpu.sem_alloc : memref<!tpu.dma_semaphore, #tpu.memory_space<semaphore_mem>>
        %dma_start3A_71 = tpu.memref_slice %arg3[%add3A_27] : memref<819200xi32, #tpu.memory_space<hbm>> -> memref<200xi32, #tpu.memory_space<hbm>>
        %dma_start3A_72 = tpu.memref_slice %arg3[%add3A_27] : memref<819200xi32, #tpu.memory_space<hbm>> -> memref<200xi32, #tpu.memory_space<hbm>>
        tpu.enqueue_dma source(%dma_start3A_72 : memref<200xi32, #tpu.memory_space<hbm>>) target(%arg6 : memref<200xi32, #tpu.memory_space<vmem>>) target_semaphore(%run_scoped3A : memref<!tpu.dma_semaphore, #tpu.memory_space<semaphore_mem>>)
        %dma_wait3A_73 = tpu.memref_slice %arg3[%add3A_27] : memref<819200xi32, #tpu.memory_space<hbm>> -> memref<200xi32, #tpu.memory_space<hbm>>
        %dma_wait3A_74 = tpu.memref_slice %arg3[%add3A_27] : memref<819200xi32, #tpu.memory_space<hbm>> -> memref<200xi32, #tpu.memory_space<hbm>>
        tpu.wait_dma2 semaphore(%run_scoped3A : memref<!tpu.dma_semaphore, #tpu.memory_space<semaphore_mem>>) src(%dma_wait3A_74 : memref<200xi32, #tpu.memory_space<hbm>>) dst(%arg6 : memref<200xi32, #tpu.memory_space<vmem>>)
        tpu.yield
      }) : () -> ()
      %dma_start3A_28 = arith.constant 0 : i32
      %dma_start3A_29 = arith.constant 0 : i32
      %dma_start3A_30 = tpu.memref_slice %arg2[%dma_start3A_28, %dma_start3A_29] : memref<100000x128xf32, #tpu.memory_space<hbm>> -> memref<100000x128xf32, #tpu.memory_space<hbm>>
      tpu.enqueue_indirect_dma source(%dma_start3A_30 : memref<100000x128xf32, #tpu.memory_space<hbm>>) target(%arg8 : memref<200x128xf32, #tpu.memory_space<vmem>>) offsets(%arg6 : memref<200xi32, #tpu.memory_space<vmem>>) semaphore(%arg12 : memref<!tpu.dma_semaphore, #tpu.memory_space<semaphore_mem>>)
      %dma_wait3A_31 = arith.constant 0 : i32
      %dma_wait3A_32 = arith.constant 0 : i32
      %dma_wait3A_33 = tpu.memref_slice %arg2[%dma_wait3A_31, %dma_wait3A_32] : memref<100000x128xf32, #tpu.memory_space<hbm>> -> memref<100000x128xf32, #tpu.memory_space<hbm>>
      tpu.wait_indirect_dma semaphore(%arg11 : memref<!tpu.dma_semaphore, #tpu.memory_space<semaphore_mem>>) src(%dma_wait3A_33 : memref<100000x128xf32, #tpu.memory_space<hbm>>) dst(%arg7 : memref<200x128xf32, #tpu.memory_space<vmem>>)
      %ge3A = arith.constant 2 : i32
      %ge3A_34 = arith.cmpi sge, %add3A_22, %ge3A : i32
      %convert_element_type3A = arith.extui %ge3A_34 : i1 to i32
      %cond3A = arith.constant 0 : i32
      %cond3A_35 = arith.cmpi ne, %convert_element_type3A, %cond3A : i32
      scf.if %cond3A_35 {
        %dma_wait3A_71 = arith.constant 0 : i32
        %dma_wait3A_72 = tpu.memref_slice %arg4[%mul3A_2, %dma_wait3A_71] : memref<819200x64xf32, #tpu.memory_space<hbm>> -> memref<200x64xf32, #tpu.memory_space<hbm>>
        %dma_wait3A_73 = arith.constant 0 : i32
        %dma_wait3A_74 = tpu.memref_slice %arg4[%mul3A_2, %dma_wait3A_73] : memref<819200x64xf32, #tpu.memory_space<hbm>> -> memref<200x64xf32, #tpu.memory_space<hbm>>
        tpu.wait_dma2 semaphore(%arg13 : memref<!tpu.dma_semaphore, #tpu.memory_space<semaphore_mem>>) src(%arg9 : memref<200x64xf32, #tpu.memory_space<vmem>>) dst(%dma_wait3A_74 : memref<200x64xf32, #tpu.memory_space<hbm>>)
      } else {
      }
      %parallel_loop3A = arith.constant 0 : i32
      %parallel_loop3A_36 = arith.constant 200 : i32
      %parallel_loop3A_37 = arith.constant 1 : i32
      scf.for %parallel_loop3A_71 = %parallel_loop3A to %parallel_loop3A_36 step %parallel_loop3A_37  : i32 {
        %parallel_loop3A_72 = arith.index_cast %parallel_loop3A_71 : i32 to index
        %parallel_loop3A_73 = arith.constant 0 : index
        %parallel_loop3A_74 = tpu.vector_load %arg7[%parallel_loop3A_72, %parallel_loop3A_73] {strides = array<i32>} : memref<200x128xf32, #tpu.memory_space<vmem>>, vector<1x16xf32>,
        %parallel_loop3A_75 = vector.shape_cast %parallel_loop3A_74 : vector<1x16xf32> to vector<16xf32>
        %parallel_loop3A_76 = arith.index_cast %parallel_loop3A_71 : i32 to index
        %parallel_loop3A_77 = arith.constant 0 : index
        %parallel_loop3A_78 = tpu.vector_load %arg9[%parallel_loop3A_76, %parallel_loop3A_77] {strides = array<i32>} : memref<200x64xf32, #tpu.memory_space<vmem>>, vector<1x16xf32>,
        %parallel_loop3A_79 = vector.shape_cast %parallel_loop3A_78 : vector<1x16xf32> to vector<16xf32>
        %parallel_loop3A_80 = vector.shape_cast %parallel_loop3A_75 : vector<16xf32> to vector<1x16xf32>
        tpu.vector_store %arg9[%parallel_loop3A_76, %parallel_loop3A_77], %parallel_loop3A_80 {strides = array<i32>} : memref<200x64xf32, #tpu.memory_space<vmem>>, vector<1x16xf32>,
        %parallel_loop3A_81 = arith.index_cast %parallel_loop3A_71 : i32 to index
        %parallel_loop3A_82 = arith.constant 16 : index
        %parallel_loop3A_83 = tpu.vector_load %arg7[%parallel_loop3A_81, %parallel_loop3A_82] {strides = array<i32>} : memref<200x128xf32, #tpu.memory_space<vmem>>, vector<1x16xf32>,
        %parallel_loop3A_84 = vector.shape_cast %parallel_loop3A_83 : vector<1x16xf32> to vector<16xf32>
        %parallel_loop3A_85 = arith.index_cast %parallel_loop3A_71 : i32 to index
        %parallel_loop3A_86 = arith.constant 16 : index
        %parallel_loop3A_87 = tpu.vector_load %arg9[%parallel_loop3A_85, %parallel_loop3A_86] {strides = array<i32>} : memref<200x64xf32, #tpu.memory_space<vmem>>, vector<1x16xf32>,
        %parallel_loop3A_88 = vector.shape_cast %parallel_loop3A_87 : vector<1x16xf32> to vector<16xf32>
        %parallel_loop3A_89 = vector.shape_cast %parallel_loop3A_84 : vector<16xf32> to vector<1x16xf32>
        tpu.vector_store %arg9[%parallel_loop3A_85, %parallel_loop3A_86], %parallel_loop3A_89 {strides = array<i32>} : memref<200x64xf32, #tpu.memory_space<vmem>>, vector<1x16xf32>,
        %parallel_loop3A_90 = arith.index_cast %parallel_loop3A_71 : i32 to index
        %parallel_loop3A_91 = arith.constant 32 : index
        %parallel_loop3A_92 = tpu.vector_load %arg7[%parallel_loop3A_90, %parallel_loop3A_91] {strides = array<i32>} : memref<200x128xf32, #tpu.memory_space<vmem>>, vector<1x16xf32>,
        %parallel_loop3A_93 = vector.shape_cast %parallel_loop3A_92 : vector<1x16xf32> to vector<16xf32>
        %parallel_loop3A_94 = arith.index_cast %parallel_loop3A_71 : i32 to index
        %parallel_loop3A_95 = arith.constant 32 : index
        %parallel_loop3A_96 = tpu.vector_load %arg9[%parallel_loop3A_94, %parallel_loop3A_95] {strides = array<i32>} : memref<200x64xf32, #tpu.memory_space<vmem>>, vector<1x16xf32>,
        %parallel_loop3A_97 = vector.shape_cast %parallel_loop3A_96 : vector<1x16xf32> to vector<16xf32>
        %parallel_loop3A_98 = vector.shape_cast %parallel_loop3A_93 : vector<16xf32> to vector<1x16xf32>
        tpu.vector_store %arg9[%parallel_loop3A_94, %parallel_loop3A_95], %parallel_loop3A_98 {strides = array<i32>} : memref<200x64xf32, #tpu.memory_space<vmem>>, vector<1x16xf32>,
        %parallel_loop3A_99 = arith.index_cast %parallel_loop3A_71 : i32 to index
        %parallel_loop3A_100 = arith.constant 48 : index
        %parallel_loop3A_101 = tpu.vector_load %arg7[%parallel_loop3A_99, %parallel_loop3A_100] {strides = array<i32>} : memref<200x128xf32, #tpu.memory_space<vmem>>, vector<1x16xf32>,
        %parallel_loop3A_102 = vector.shape_cast %parallel_loop3A_101 : vector<1x16xf32> to vector<16xf32>
        %parallel_loop3A_103 = arith.index_cast %parallel_loop3A_71 : i32 to index
        %parallel_loop3A_104 = arith.constant 48 : index
        %parallel_loop3A_105 = tpu.vector_load %arg9[%parallel_loop3A_103, %parallel_loop3A_104] {strides = array<i32>} : memref<200x64xf32, #tpu.memory_space<vmem>>, vector<1x16xf32>,
        %parallel_loop3A_106 = vector.shape_cast %parallel_loop3A_105 : vector<1x16xf32> to vector<16xf32>
        %parallel_loop3A_107 = vector.shape_cast %parallel_loop3A_102 : vector<16xf32> to vector<1x16xf32>
        tpu.vector_store %arg9[%parallel_loop3A_103, %parallel_loop3A_104], %parallel_loop3A_107 {strides = array<i32>} : memref<200x64xf32, #tpu.memory_space<vmem>>, vector<1x16xf32>,
      } {sc.loop_unroll_factor = 4 : i64, sc.parallel_access}
      %mul3A_38 = arith.constant 200 : i32
      %mul3A_39 = arith.muli %add3A_22, %mul3A_38 : i32
      %add3A_40 = arith.addi %mul3A_2, %mul3A_39 : i32
      %dma_start3A_41 = arith.constant 0 : i32
      %dma_start3A_42 = tpu.memref_slice %arg4[%add3A_40, %dma_start3A_41] : memref<819200x64xf32, #tpu.memory_space<hbm>> -> memref<200x64xf32, #tpu.memory_space<hbm>>
      %dma_start3A_43 = arith.constant 0 : i32
      %dma_start3A_44 = tpu.memref_slice %arg4[%add3A_40, %dma_start3A_43] : memref<819200x64xf32, #tpu.memory_space<hbm>> -> memref<200x64xf32, #tpu.memory_space<hbm>>
      tpu.enqueue_dma source(%arg9 : memref<200x64xf32, #tpu.memory_space<vmem>>) target(%dma_start3A_44 : memref<200x64xf32, #tpu.memory_space<hbm>>) target_semaphore(%arg13 : memref<!tpu.dma_semaphore, #tpu.memory_space<semaphore_mem>>)
      %add3A_45 = arith.constant 2 : i32
      %add3A_46 = arith.addi %add3A_22, %add3A_45 : i32
      %lt3A = arith.constant 128 : i32
      %lt3A_47 = arith.cmpi slt, %add3A_46, %lt3A : i32
      %convert_element_type3A_48 = arith.extui %lt3A_47 : i1 to i32
      %cond3A_49 = arith.constant 0 : i32
      %cond3A_50 = arith.cmpi ne, %convert_element_type3A_48, %cond3A_49 : i32
      scf.if %cond3A_50 {
        %add3A_71 = arith.constant 2 : i32
        %add3A_72 = arith.addi %add3A_22, %add3A_71 : i32
        %mul3A_73 = arith.constant 200 : i32
        %mul3A_74 = arith.muli %add3A_72, %mul3A_73 : i32
        %add3A_75 = arith.addi %mul3A_2, %mul3A_74 : i32
        "tpu.region"() ({
          %run_scoped3A = tpu.sem_alloc : memref<!tpu.dma_semaphore, #tpu.memory_space<semaphore_mem>>
          %dma_start3A_79 = tpu.memref_slice %arg3[%add3A_75] : memref<819200xi32, #tpu.memory_space<hbm>> -> memref<200xi32, #tpu.memory_space<hbm>>
          %dma_start3A_80 = tpu.memref_slice %arg3[%add3A_75] : memref<819200xi32, #tpu.memory_space<hbm>> -> memref<200xi32, #tpu.memory_space<hbm>>
          tpu.enqueue_dma source(%dma_start3A_80 : memref<200xi32, #tpu.memory_space<hbm>>) target(%arg5 : memref<200xi32, #tpu.memory_space<vmem>>) target_semaphore(%run_scoped3A : memref<!tpu.dma_semaphore, #tpu.memory_space<semaphore_mem>>)
          %dma_wait3A_81 = tpu.memref_slice %arg3[%add3A_75] : memref<819200xi32, #tpu.memory_space<hbm>> -> memref<200xi32, #tpu.memory_space<hbm>>
          %dma_wait3A_82 = tpu.memref_slice %arg3[%add3A_75] : memref<819200xi32, #tpu.memory_space<hbm>> -> memref<200xi32, #tpu.memory_space<hbm>>
          tpu.wait_dma2 semaphore(%run_scoped3A : memref<!tpu.dma_semaphore, #tpu.memory_space<semaphore_mem>>) src(%dma_wait3A_82 : memref<200xi32, #tpu.memory_space<hbm>>) dst(%arg5 : memref<200xi32, #tpu.memory_space<vmem>>)
          tpu.yield
        }) : () -> ()
        %dma_start3A_76 = arith.constant 0 : i32
        %dma_start3A_77 = arith.constant 0 : i32
        %dma_start3A_78 = tpu.memref_slice %arg2[%dma_start3A_76, %dma_start3A_77] : memref<100000x128xf32, #tpu.memory_space<hbm>> -> memref<100000x128xf32, #tpu.memory_space<hbm>>
        tpu.enqueue_indirect_dma source(%dma_start3A_78 : memref<100000x128xf32, #tpu.memory_space<hbm>>) target(%arg7 : memref<200x128xf32, #tpu.memory_space<vmem>>) offsets(%arg5 : memref<200xi32, #tpu.memory_space<vmem>>) semaphore(%arg11 : memref<!tpu.dma_semaphore, #tpu.memory_space<semaphore_mem>>)
      } else {
      }
      %dma_wait3A_51 = arith.constant 0 : i32
      %dma_wait3A_52 = arith.constant 0 : i32
      %dma_wait3A_53 = tpu.memref_slice %arg2[%dma_wait3A_51, %dma_wait3A_52] : memref<100000x128xf32, #tpu.memory_space<hbm>> -> memref<100000x128xf32, #tpu.memory_space<hbm>>
      tpu.wait_indirect_dma semaphore(%arg12 : memref<!tpu.dma_semaphore, #tpu.memory_space<semaphore_mem>>) src(%dma_wait3A_53 : memref<100000x128xf32, #tpu.memory_space<hbm>>) dst(%arg8 : memref<200x128xf32, #tpu.memory_space<vmem>>)
      %ge3A_54 = arith.constant 2 : i32
      %ge3A_55 = arith.cmpi sge, %add3A_22, %ge3A_54 : i32
      %convert_element_type3A_56 = arith.extui %ge3A_55 : i1 to i32
      %cond3A_57 = arith.constant 0 : i32
      %cond3A_58 = arith.cmpi ne, %convert_element_type3A_56, %cond3A_57 : i32
      scf.if %cond3A_58 {
        %dma_wait3A_71 = arith.constant 0 : i32
        %dma_wait3A_72 = tpu.memref_slice %arg4[%mul3A_2, %dma_wait3A_71] : memref<819200x64xf32, #tpu.memory_space<hbm>> -> memref<200x64xf32, #tpu.memory_space<hbm>>
        %dma_wait3A_73 = arith.constant 0 : i32
        %dma_wait3A_74 = tpu.memref_slice %arg4[%mul3A_2, %dma_wait3A_73] : memref<819200x64xf32, #tpu.memory_space<hbm>> -> memref<200x64xf32, #tpu.memory_space<hbm>>
        tpu.wait_dma2 semaphore(%arg14 : memref<!tpu.dma_semaphore, #tpu.memory_space<semaphore_mem>>) src(%arg10 : memref<200x64xf32, #tpu.memory_space<vmem>>) dst(%dma_wait3A_74 : memref<200x64xf32, #tpu.memory_space<hbm>>)
      } else {
      }
      %parallel_loop3A_59 = arith.constant 0 : i32
      %parallel_loop3A_60 = arith.constant 200 : i32
      %parallel_loop3A_61 = arith.constant 1 : i32
      scf.for %parallel_loop3A_71 = %parallel_loop3A_59 to %parallel_loop3A_60 step %parallel_loop3A_61  : i32 {
        %parallel_loop3A_72 = arith.index_cast %parallel_loop3A_71 : i32 to index
        %parallel_loop3A_73 = arith.constant 0 : index
        %parallel_loop3A_74 = tpu.vector_load %arg8[%parallel_loop3A_72, %parallel_loop3A_73] {strides = array<i32>} : memref<200x128xf32, #tpu.memory_space<vmem>>, vector<1x16xf32>,
        %parallel_loop3A_75 = vector.shape_cast %parallel_loop3A_74 : vector<1x16xf32> to vector<16xf32>
        %parallel_loop3A_76 = arith.index_cast %parallel_loop3A_71 : i32 to index
        %parallel_loop3A_77 = arith.constant 0 : index
        %parallel_loop3A_78 = tpu.vector_load %arg10[%parallel_loop3A_76, %parallel_loop3A_77] {strides = array<i32>} : memref<200x64xf32, #tpu.memory_space<vmem>>, vector<1x16xf32>,
        %parallel_loop3A_79 = vector.shape_cast %parallel_loop3A_78 : vector<1x16xf32> to vector<16xf32>
        %parallel_loop3A_80 = vector.shape_cast %parallel_loop3A_75 : vector<16xf32> to vector<1x16xf32>
        tpu.vector_store %arg10[%parallel_loop3A_76, %parallel_loop3A_77], %parallel_loop3A_80 {strides = array<i32>} : memref<200x64xf32, #tpu.memory_space<vmem>>, vector<1x16xf32>,
        %parallel_loop3A_81 = arith.index_cast %parallel_loop3A_71 : i32 to index
        %parallel_loop3A_82 = arith.constant 16 : index
        %parallel_loop3A_83 = tpu.vector_load %arg8[%parallel_loop3A_81, %parallel_loop3A_82] {strides = array<i32>} : memref<200x128xf32, #tpu.memory_space<vmem>>, vector<1x16xf32>,
        %parallel_loop3A_84 = vector.shape_cast %parallel_loop3A_83 : vector<1x16xf32> to vector<16xf32>
        %parallel_loop3A_85 = arith.index_cast %parallel_loop3A_71 : i32 to index
        %parallel_loop3A_86 = arith.constant 16 : index
        %parallel_loop3A_87 = tpu.vector_load %arg10[%parallel_loop3A_85, %parallel_loop3A_86] {strides = array<i32>} : memref<200x64xf32, #tpu.memory_space<vmem>>, vector<1x16xf32>,
        %parallel_loop3A_88 = vector.shape_cast %parallel_loop3A_87 : vector<1x16xf32> to vector<16xf32>
        %parallel_loop3A_89 = vector.shape_cast %parallel_loop3A_84 : vector<16xf32> to vector<1x16xf32>
        tpu.vector_store %arg10[%parallel_loop3A_85, %parallel_loop3A_86], %parallel_loop3A_89 {strides = array<i32>} : memref<200x64xf32, #tpu.memory_space<vmem>>, vector<1x16xf32>,
        %parallel_loop3A_90 = arith.index_cast %parallel_loop3A_71 : i32 to index
        %parallel_loop3A_91 = arith.constant 32 : index
        %parallel_loop3A_92 = tpu.vector_load %arg8[%parallel_loop3A_90, %parallel_loop3A_91] {strides = array<i32>} : memref<200x128xf32, #tpu.memory_space<vmem>>, vector<1x16xf32>,
        %parallel_loop3A_93 = vector.shape_cast %parallel_loop3A_92 : vector<1x16xf32> to vector<16xf32>
        %parallel_loop3A_94 = arith.index_cast %parallel_loop3A_71 : i32 to index
        %parallel_loop3A_95 = arith.constant 32 : index
        %parallel_loop3A_96 = tpu.vector_load %arg10[%parallel_loop3A_94, %parallel_loop3A_95] {strides = array<i32>} : memref<200x64xf32, #tpu.memory_space<vmem>>, vector<1x16xf32>,
        %parallel_loop3A_97 = vector.shape_cast %parallel_loop3A_96 : vector<1x16xf32> to vector<16xf32>
        %parallel_loop3A_98 = vector.shape_cast %parallel_loop3A_93 : vector<16xf32> to vector<1x16xf32>
        tpu.vector_store %arg10[%parallel_loop3A_94, %parallel_loop3A_95], %parallel_loop3A_98 {strides = array<i32>} : memref<200x64xf32, #tpu.memory_space<vmem>>, vector<1x16xf32>,
        %parallel_loop3A_99 = arith.index_cast %parallel_loop3A_71 : i32 to index
        %parallel_loop3A_100 = arith.constant 48 : index
        %parallel_loop3A_101 = tpu.vector_load %arg8[%parallel_loop3A_99, %parallel_loop3A_100] {strides = array<i32>} : memref<200x128xf32, #tpu.memory_space<vmem>>, vector<1x16xf32>,
        %parallel_loop3A_102 = vector.shape_cast %parallel_loop3A_101 : vector<1x16xf32> to vector<16xf32>
        %parallel_loop3A_103 = arith.index_cast %parallel_loop3A_71 : i32 to index
        %parallel_loop3A_104 = arith.constant 48 : index
        %parallel_loop3A_105 = tpu.vector_load %arg10[%parallel_loop3A_103, %parallel_loop3A_104] {strides = array<i32>} : memref<200x64xf32, #tpu.memory_space<vmem>>, vector<1x16xf32>,
        %parallel_loop3A_106 = vector.shape_cast %parallel_loop3A_105 : vector<1x16xf32> to vector<16xf32>
        %parallel_loop3A_107 = vector.shape_cast %parallel_loop3A_102 : vector<16xf32> to vector<1x16xf32>
        tpu.vector_store %arg10[%parallel_loop3A_103, %parallel_loop3A_104], %parallel_loop3A_107 {strides = array<i32>} : memref<200x64xf32, #tpu.memory_space<vmem>>, vector<1x16xf32>,
      } {sc.loop_unroll_factor = 4 : i64, sc.parallel_access}
      %add3A_62 = arith.constant 1 : i32
      %add3A_63 = arith.addi %add3A_22, %add3A_62 : i32
      %mul3A_64 = arith.constant 200 : i32
      %mul3A_65 = arith.muli %add3A_63, %mul3A_64 : i32
      %add3A_66 = arith.addi %mul3A_2, %mul3A_65 : i32
      %dma_start3A_67 = arith.constant 0 : i32
      %dma_start3A_68 = tpu.memref_slice %arg4[%add3A_66, %dma_start3A_67] : memref<819200x64xf32, #tpu.memory_space<hbm>> -> memref<200x64xf32, #tpu.memory_space<hbm>>
      %dma_start3A_69 = arith.constant 0 : i32
      %dma_start3A_70 = tpu.memref_slice %arg4[%add3A_66, %dma_start3A_69] : memref<819200x64xf32, #tpu.memory_space<hbm>> -> memref<200x64xf32, #tpu.memory_space<hbm>>
      tpu.enqueue_dma source(%arg10 : memref<200x64xf32, #tpu.memory_space<vmem>>) target(%dma_start3A_70 : memref<200x64xf32, #tpu.memory_space<hbm>>) target_semaphore(%arg14 : memref<!tpu.dma_semaphore, #tpu.memory_space<semaphore_mem>>)
    }
    %scan3A_10 = arith.constant 64 : i32
    %dma_wait3A = arith.constant 0 : i32
    %dma_wait3A_11 = tpu.memref_slice %arg4[%mul3A_2, %dma_wait3A] : memref<819200x64xf32, #tpu.memory_space<hbm>> -> memref<200x64xf32, #tpu.memory_space<hbm>>
    %dma_wait3A_12 = arith.constant 0 : i32
    %dma_wait3A_13 = tpu.memref_slice %arg4[%mul3A_2, %dma_wait3A_12] : memref<819200x64xf32, #tpu.memory_space<hbm>> -> memref<200x64xf32, #tpu.memory_space<hbm>>
    tpu.wait_dma2 semaphore(%arg13 : memref<!tpu.dma_semaphore, #tpu.memory_space<semaphore_mem>>) src(%arg9 : memref<200x64xf32, #tpu.memory_space<vmem>>) dst(%dma_wait3A_13 : memref<200x64xf32, #tpu.memory_space<hbm>>)
    %dma_wait3A_14 = arith.constant 0 : i32
    %dma_wait3A_15 = tpu.memref_slice %arg4[%mul3A_2, %dma_wait3A_14] : memref<819200x64xf32, #tpu.memory_space<hbm>> -> memref<200x64xf32, #tpu.memory_space<hbm>>
    %dma_wait3A_16 = arith.constant 0 : i32
    %dma_wait3A_17 = tpu.memref_slice %arg4[%mul3A_2, %dma_wait3A_16] : memref<819200x64xf32, #tpu.memory_space<hbm>> -> memref<200x64xf32, #tpu.memory_space<hbm>>
    tpu.wait_dma2 semaphore(%arg14 : memref<!tpu.dma_semaphore, #tpu.memory_space<semaphore_mem>>) src(%arg10 : memref<200x64xf32, #tpu.memory_space<vmem>>) dst(%dma_wait3A_17 : memref<200x64xf32, #tpu.memory_space<hbm>>)
    return
  }
}

</mosaic_0001>

<sc_bundles>
// kernel: kernel.3.cloned.1.call-start
scs
__scs_entry_jumppad:
0x0: {  	(pc) =	sbr.rel $0x88, $3  }
0x1: {  	(tag) =	ssettag $0x0;
	lr =	simm.s32 $0x1  }
0x2: {  	[smem:$0x3F9E] =	sst lr;
	_ =	strace $0xD0000000  }
0x3: {  	_ = 	snop  }
0x4: {  	_ = 	snop  }
0x5: {  	_ = 	snop  }
0x6: {  	_ = 	snop  }
0x7: {  	_ = 	snop  }
__scs_overlays_trampoline_lowered:
0x8: {  	[smem:$0x3FAD] =	sst s0  }
0x9: {  	[smem:$0x3FAE] =	sst s1  }
0xa: {  	[smem:$0x3FAF] =	sst s2  }
0xb: {  	[smem:$0x3FB0] =	sst s3  }
0xc: {  	[smem:$0x3FB1] =	sst s4  }
0xd: {  	[smem:$0x3FB2] =	sst s5  }
0xe: {  	[smem:$0x3FB3] =	sst s6  }
0xf: {  	[smem:$0x3FB4] =	sst s7  }
0x10: {  	[smem:$0x3FB5] =	sst s8  }
0x11: {  	[smem:$0x3FB6] =	sst s9;
	s0 =	simm.s32 @!p0 $0x0  }
0x12: {  	s1 =	sld [smem:$0x3F9C];
	s0 =	simm.s32 @p0 $0x1  }
0x13: {  	[smem:$0x3FB7] =	sst s0;
	s0 =	simm.s32 @!p1 $0x0  }
0x14: {  	s2 =	sld [smem:$0x3F9B];
	s0 =	simm.s32 @p1 $0x1  }
0x15: {  	[smem:$0x3FB8] =	sst s0;
	s0 =	simm.s32 @!p2 $0x0  }
0x16: {  	s3 =	sld [smem:$0x3FDB];
	s0 =	simm.s32 @p2 $0x1  }
0x17: {  	s4 =	simm.s32 $0x1BF5;
	[smem:$0x3FBA] =	sst s0  }
0x18: {  	s0 =	sld [smem:$0x3F9D];
	_ =	swait.ge [sflag:s4], $0x0  }
0x19: {  	s7 =	sld [smem:$0x3F9E]  }
0x1a: {  	s8 =	sadd.s32 $0xFFFFE003, lr  }
0x1b: {  	s9 =	sadd.s32 $0xFFFFFEF7, lr;
	s5 =	simm.s32 $0xFFFFFFFF;
	p2 =	slt.u32 s8, $0xFFFFF086  }
0x1c: {  	p1 =	slt.u32 s9, $0xF7A;
	s5 =	simm.s32 @!p2 $0x0  }
0x1d: {  	s5 =	simm.s32 @p1 $0x1;
	p0 =	seq.s32 s7, s2  }
0x1e: {  	s7 =	smul.u32 @!p0 $0xF7A, s2;
	p2 =	seq.s32 @!p0 s5, $0x0  }
0x1f: {  	s9 =	smul.u32 $0xF7A, s1;
	s8 =	simm.s32 @!p0 $0x1BF5;
	p2 =	por !p2, p0  }
0x20: {  	[sflag:s8] =	ssyncset.s32 @!p0 $0xFFFFF086;
	s6 =	sadd.s32 @!p0 s3, s7;
	s7 =	simm.s32 @!p0 $0x108  }
0x21: {  	s3 =	sadd.s32 s3, s9;
	s6 =	sadd.s32 @!p0 $0x88, s6;
	s7 =	simm.s32 @p2 $0x1082  }
0x22: {  	[simem:s7], [sflag:s8] =	dma.local @!p0 [hbm:s6], $0xF7A  }
0x23: {  	s9 =	sor.u32 $0xD0000000, s2;
	s6 =	simm.s32 $0x108;
	_ =	swait.ge @!p0 [sflag:s8], $0x0  }
0x24: {  	s3 =	sadd.s32 $0x88, s3;
	s6 =	simm.s32 @!p1 $0x1082;
	[sflag:s4] =	ssyncset.s32 $0xFFFFF086  }
0x25: {  	[simem:s6], [sflag:s4] =	dma.local [hbm:s3], $0xF7A  }
0x26: {  	[smem:$0x3F9E] =	sst s1;
	(tag) =	ssettag s2;
	_ =	strace s9  }
0x27: {  	s1 =	sld [smem:$0x3FAE]  }
0x28: {  	s2 =	sld [smem:$0x3FAF]  }
0x29: {  	s4 =	sld [smem:$0x3FB1]  }
0x2a: {  	p0 =	seq.s32 s5, $0x0;
	s5 =	sld [smem:$0x3FB2]  }
0x2b: {  	s6 =	sld [smem:$0x3FB3]  }
0x2c: {  	s7 =	sld [smem:$0x3FB4]  }
0x2d: {  	s3 =	simm.s32 $0x108;
	s8 =	sld [smem:$0x3FB5]  }
0x2e: {  	s3 =	simm.s32 @!p0 $0x1082;
	s9 =	sld [smem:$0x3FB6]  }
0x2f: {  	lr =	sadd.s32 s0, s3;
	s0 =	sld [smem:$0x3FAD]  }
0x30: {  	s3 =	sld [smem:$0x3FB0]  }
0x31: {  	[smem:$0x3FB9] =	sst s10  }
0x32: {  	s10 =	sld [smem:$0x3FB7];
	_ =	sdelay $0x3  }
0x33: {  	p0 =	seq.s32 s10, $0x1;
	s10 =	sld [smem:$0x3FB9];
	_ =	sdelay $0x3  }
0x34: {  	[smem:$0x3FB9] =	sst s10  }
0x35: {  	s10 =	sld [smem:$0x3FB8];
	_ =	sdelay $0x3  }
0x36: {  	p1 =	seq.s32 s10, $0x1;
	s10 =	sld [smem:$0x3FB9];
	_ =	sdelay $0x3  }
0x37: {  	[smem:$0x3FB9] =	sst s10  }
0x38: {  	s10 =	sld [smem:$0x3FBA]  }
0x39: {  	_ = 	snop;
	(pc) =	sbr.ind lr, $3  }
0x3a: {  	_ = 	snop  }
0x3b: {  	_ = 	snop  }
0x3c: {  	p2 =	seq.s32 s10, $0x1;
	s10 =	sld [smem:$0x3FB9]  }
0x3d: {  	_ =	shalt  }
0x3e: {  	_ =	shalt  }
0x3f: {  	_ =	shalt  }
0x40: {  	_ =	shalt  }
0x41: {  	_ =	shalt  }
0x42: {  	_ =	shalt  }
0x43: {  	_ =	shalt  }
0x44: {  	_ =	shalt  }
0x45: {  	_ =	shalt  }
0x46: {  	_ =	shalt  }
0x47: {  	_ =	shalt  }
0x48: {  	_ =	shalt  }
0x49: {  	_ =	shalt  }
0x4a: {  	_ =	shalt  }
0x4b: {  	_ =	shalt  }
0x4c: {  	_ =	shalt  }
0x4d: {  	_ =	shalt  }
0x4e: {  	_ =	shalt  }
0x4f: {  	_ =	shalt  }
0x50: {  	_ =	shalt  }
0x51: {  	_ =	shalt  }
0x52: {  	_ =	shalt  }
0x53: {  	_ =	shalt  }
0x54: {  	_ =	shalt  }
0x55: {  	_ =	shalt  }
0x56: {  	_ =	shalt  }
0x57: {  	_ =	shalt  }
0x58: {  	_ =	shalt  }
0x59: {  	_ =	shalt  }
0x5a: {  	_ =	shalt  }
0x5b: {  	_ =	shalt  }
0x5c: {  	_ =	shalt  }
0x5d: {  	_ =	shalt  }
0x5e: {  	_ =	shalt  }
0x5f: {  	_ =	shalt  }
0x60: {  	_ =	shalt  }
0x61: {  	_ =	shalt  }
0x62: {  	_ =	shalt  }
0x63: {  	_ =	shalt  }
0x64: {  	_ =	shalt  }
0x65: {  	_ =	shalt  }
0x66: {  	_ =	shalt  }
0x67: {  	_ =	shalt  }
0x68: {  	_ =	shalt  }
0x69: {  	_ =	shalt  }
0x6a: {  	_ =	shalt  }
0x6b: {  	_ =	shalt  }
0x6c: {  	_ =	shalt  }
0x6d: {  	_ =	shalt  }
0x6e: {  	_ =	shalt  }
0x6f: {  	_ =	shalt  }
0x70: {  	_ =	shalt  }
0x71: {  	_ =	shalt  }
0x72: {  	_ =	shalt  }
0x73: {  	_ =	shalt  }
0x74: {  	_ =	shalt  }
0x75: {  	_ =	shalt  }
0x76: {  	_ =	shalt  }
0x77: {  	_ =	shalt  }
0x78: {  	_ =	shalt  }
0x79: {  	_ =	shalt  }
0x7a: {  	_ =	shalt  }
0x7b: {  	_ =	shalt  }
0x7c: {  	_ =	shalt  }
0x7d: {  	_ =	shalt  }
0x7e: {  	_ =	shalt  }
0x7f: {  	_ =	shalt  }
0x80: {  	_ =	shalt  }
0x81: {  	_ =	shalt  }
0x82: {  	_ =	shalt  }
0x83: {  	_ =	shalt  }
0x84: {  	_ =	shalt  }
0x85: {  	_ =	shalt  }
0x86: {  	_ =	shalt  }
0x87: {  	_ =	shalt  }
.Lfunc_end0:
.L_simem_size_0:
called_computation.1_lowered:
.L_overlay_start_0:
0x88: {  	s2 =	sld [smem:$0x3FD9]  }
0x89: {  	s3 =	sld [smem:$0x3FFE];
	_ =	sdelay $0x1  }
0x8a: {  	s1 =	srdreg.scid  }
0x8b: {  	s0 =	sand.u32 $0x1, s1  }
0x8c: {  	s14 =	sshll.u32 s0, $0xA;
	s2 =	sadd.s32 s3, s2  }
0x8d: {  	s2 =	sadd.s32 s2, s14  }
0x8e: {  	[smem:$0x3FC5] =	sst s2  }
0x8f: {  	_ = 	snop  }
0x90: {  	s2 =	sld [smem:$0x3FD0];
	_ =	sdelay $0x2  }
0x91: {  	s15 =	simm.s32 $0xA;
	s4 =	simm.s32 $0x10  }
0x92: {  	[smem:s4], [sflag:s15] =	dma.local [hbm:s2], $0x1  }
0x93: {  	_ =	swait.eq [sflag:s15], $0x1  }
0x94: {  	[sflag:s15] =	ssyncset.done $0x0  }
0x95: {  	[sflag:s15] =	ssyncadd.s32 $0xFFFFFFFF  }
0x96: {  	s16 =	sld [smem:$0x10];
	(tm) =	ssettm $0x1  }
0x97: {  	s17 =	sld [smem:$0x3FFB];
	_ =	sdelay $0x3  }
0x98: {  	_ =	strace s17  }
0x99: {  	s3 =	sld [smem:$0x3FFC];
	_ =	sdelay $0x3  }
0x9a: {  	_ =	strace s3  }
0x9b: {  	s3 =	sld [smem:$0x3FFD];
	_ =	sdelay $0x3  }
0x9c: {  	_ =	strace s3  }
0x9d: {  	_ =	strace $0x8FFFFFFF  }
0x9e: {  	s18 =	sld [smem:$0x3FDB];
	_ =	sdelay $0x1  }
0x9f: {  	s19 =	simm.s32 $_scs_section_size  }
0xa0: {  	s5 =	simm.s32 $_size__tile_overlayer_lowered;
	s6 =	simm.s32 $_tile_overlayer_lowered  }
0xa1: {  	s22 =	simm.s32 $0x1BFF;
	s21 =	sshll.u32 s6, $0x1;
	s3 =	sadd.s32 s19, s18  }
0xa2: {  	s7 =	simm.s32 $0x0;
	s20 =	sshll.u32 s5, $0x1;
	s5 =	sadd.s32 s21, s3  }
0xa3: {  	[timem:s7], [sflag:s22] =	dma.local [hbm:s5], s20  }
0xa4: {  	_ =	swait.ge [sflag:s22], s20  }
0xa5: {  	s4 =	ssub.s32 $0x0, s20;
	[sflag:s22] =	ssyncset.done $0x0  }
0xa6: {  	[sflag:s22] =	ssyncadd.s32 s4;
	_ =	sdelay $0x1  }
0xa7: {  	s23 =	simm.s32 $0x1B8B  }
0xa8: {  	_ =	swait.ge [sflag:s23], $0x1  }
0xa9: {  	[sflag:s23] =	ssyncset.done $0x0  }
0xaa: {  	s25 =	simm.s32 $0x1B8E;
	s24 =	sld [smem:$0x3FFE];
	[sflag:s23] =	ssyncadd.s32 $0xFFFFFFFF  }
0xab: {  	s26 =	simm.s32 $execute0_lowered;
	[smem:$0x3FD2] =	sst s25  }
0xac: {  	s5 =	sshll.u32 s26, $0x1;
	_ =	strace $0x80000046;
	[dreg:$0x1] =	wrdreg $0xFFFFFFFF  }
0xad: {  	s28 =	simm.s32 $_size_execute0_lowered;
	s3 =	sadd.s32 s3, s5;
	[dreg:$0x0] =	wrdreg $0x0  }
0xae: {  	s5 =	sshll.u32 s28, $0x1;
	[dreg:$0x2] =	wrdreg s3  }
0xaf: {  	[dreg:$0x3] =	wrdreg s5  }
0xb0: {  	[dreg:$0x4] =	wrdreg $0xC0  }
0xb1: {  	_ =	task [dreg:s7], $0x5FFFF  }
0xb2: {  	[dreg:$0x1] =	wrdreg $0xFFFFFFFF  }
0xb3: {  	[dreg:$0x0] =	wrdreg $0x60  }
0xb4: {  	[dreg:$0x2] =	wrdreg s24  }
0xb5: {  	[dreg:$0x3] =	wrdreg s16  }
0xb6: {  	[dreg:$0x4] =	wrdreg $0x9  }
0xb7: {  	_ =	task.clear_ibuf [dreg:s7], $0x5FFFF;
	_ =	strace $0x90000046  }
0xb8: {  	s29 =	simm.s32 $0x9;
	_ =	strace $0x80000048  }
0xb9: {  	_ =	swait.ge [sflag:s29], $0x1  }
0xba: {  	[sflag:s29] =	ssyncadd.s32 $0xFFFFFFFF  }
0xbb: {  	_ =	strace $0x90000048  }
0xbc: {  	_ =	sfence  }
0xbd: {  	s30 =	sld [smem:$0x0];
	_ =	sdelay $0x2  }
0xbe: {  	s31 =	sshll.u32 s1, $0xD;
	s1 =	sshrl.u32 s1, $0x2  }
0xbf: {  	s3 =	sand.u32 $0x4000, s31;
	s1 =	sadd.s32 s1, s30  }
0xc0: {  	s0 =	sor.u32 s3, s0;
	s1 =	sshll.u32 s1, $0x11  }
0xc1: {  	s0 =	sor.u32 s1, s0  }
0xc2: {  	s0 =	sadd.s32 $0x8F2B, s0  }
0xc3: {  	[sflag:s0] =	ssyncadd.remote.s32 $0x1  }
0xc4: {  	_ =	sfence.sel $0xFFFF  }
0xc5: {  	[dreg:$0x0] =	wrdreg $0xFFFFFFFF;
	(pc) =	sbr.abs _section_cstart, $3  }
0xc6: {  	[dreg:$0x1] =	wrdreg $0xFFFFFFFF  }
0xc7: {  	_ =	task.clear_ibuf [dreg:s7], $0x2FFFF;
	_ =	strace $0x9FFFFFFF  }
0xc8: {  	(tm) =	ssettm $0x7FFFFFFF  }
0xc9: {  	_ =	shalt  }
tec
execute0_lowered:
.L_overlay_start_1:
0x0: {  	(tag) =	ssettag $0x1  }
0x1: {  	s6 =	rddreg [dreg:$0x0];
	s1 =	srdreg.scid  }
0x2: {  	s0 =	stileid.u32;
	s2 =	rddreg [dreg:$0x1]  }
0x3: {  	s3 =	simm.s32 $0x0;
	s11 =	simm.s32 $0x5;
	s12 =	simm.s32 $0xC8  }
0x4: {  	s13 =	simm.s32 $0x200;
	s14 =	simm.s32 $0x100;
	s15 =	simm.s32 $0x6600  }
0x5: {  	s16 =	simm.s32 $0x1;
	s17 =	simm.s32 $0xCA00;
	s18 =	simm.s32 $0x2  }
0x6: {  	s19 =	simm.s32 $0x4;
	s20 =	simm.s32 $0x12E00;
	s21 =	simm.s32 $0x3  }
0x7: {  	s5 =	sand.u32 $0x1, s1;
	s4 =	sshll.u32 s0, $0x1;
	s1 =	rddreg [dreg:$0x2]  }
0x8: {  	s22 =	simm.s32 $0x0;
	[smem:$0x7FF] =	sst s3;
	s4 =	sor.u32 s5, s4  }
0x9: {  	_ =	strace $0x80000047;
	s7 =	ssub.s32 $0x2, s5;
	s4 =	smul.u32 $0x6400, s4  }
0xa: {  	s5 =	sadd.s32 $0xC00, s6;
	s6 =	sadd.s32 $0x187600, s6;
	s8 =	sshrl.u32 s7, $0x1  }
0xb: {  	s10 =	ssub.s32 s7, s8;
	s9 =	sshrl.u32 s4, $0x3;
	s8 =	sor.u32 $0xC8, s4  }
0xc: {  	s10 =	smax.u32 s10, $0x1;
	s7 =	sadd.s32 s2, s9;
	s9 =	sor.u32 $0x190, s4  }
.LBB2_1:
0xd: {  	[tilespmem:s3], [sflag:$0x5] =	stream.linear.gather [hbm4b:s7+s3], $0xC8, $0x38;
	[tilespmem:$0x19200] =	vst v63  }
0xe: {  	_ =	swait.ge [sflag:s11], $0xC8  }
0xf: {  	[sflag:s11] =	ssyncset.done $0x0  }
0x10: {  	s23 =	simm.s32 $0x0;
	[sflag:s11] =	ssyncadd.s32 $0xFFFFFF38  }
0x11: {  	[tilespmem:s13], [sflag:$0x1] =	stream.indirect.gather [hbm4b:s5+s12], $0x80, s3, s12, $0xb8;
	[tilespmem:$0x19200] =	vst v63  }
.LBB2_2:
0x12: {  	s25 =	smul.u32 $0x190, s23;
	_ =	sdelay $0x1  }
0x13: {  	s24 =	sadd.s32 s25, s8  }
0x14: {  	s26 =	sshrl.u32 s24, $0x3  }
0x15: {  	s26 =	sadd.s32 s2, s26  }
0x16: {  	[tilespmem:s14], [sflag:$0x5] =	stream.linear.gather [hbm4b:s26+s3], $0xC8, $0x38;
	[tilespmem:$0x19200] =	vst v63  }
0x17: {  	_ =	swait.ge [sflag:s11], $0xC8  }
0x18: {  	[sflag:s11] =	ssyncset.done $0x0  }
0x19: {  	[sflag:s11] =	ssyncadd.s32 $0xFFFFFF38  }
0x1a: {  	[tilespmem:s15], [sflag:$0x2] =	stream.indirect.gather [hbm4b:s5+s12], $0x80, s14, s12, $0xb8;
	[tilespmem:$0x19200] =	vst v63  }
0x1b: {  	_ =	swait.ge [sflag:s16], $0x6400  }
0x1c: {  	p0 =	seq.s32 s23, $0x0;
	[sflag:s16] =	ssyncset.done $0x0  }
0x1d: {  	s26 =	simm.s32 @!p0 $0x3;
	[sflag:s16] =	ssyncadd.s32 $0xFFFF9C00  }
0x1e: {  	_ =	swait.ge @!p0 [sflag:s26], $0x6400  }
0x1f: {  	[sflag:s26] =	ssyncset.done @!p0 $0x0  }
0x20: {  	s30 =	simm.s32 $0x300;
	[sflag:s26] =	ssyncadd.s32 @!p0 $0xFFFF9C00  }
0x21: {  	v1 =	vld [tilespmem:s30+$0xFFFFFF80]  }
0x22: {  	v0 =	vld [tilespmem:s30+$0x80]  }
0x23: {  	v2 =	vld [tilespmem:s30+$0x0];
	_ =	sdelay $0x1  }
0x24: {  	s26 =	simm.s32 $0xCB00  }
0x25: {  	v3 =	vld [tilespmem:s30+$0xFFFFFF00];
	[tilespmem:s26+$0xFFFFFF80] =	vst v1  }
0x26: {  	[tilespmem:s26+$0x80] =	vst v0;
	v1 =	vld [tilespmem:s30+$0xFFFFFF90]  }
0x27: {  	[tilespmem:s26+$0x0] =	vst v2;
	v0 =	vld [tilespmem:s30+$0x90]  }
0x28: {  	v2 =	vld [tilespmem:s30+$0x10]  }
0x29: {  	s28 =	simm.s32 $0x500  }
0x2a: {  	v4 =	vld [tilespmem:s28+$0x80];
	[tilespmem:s26+$0xFFFFFF00] =	vst v3  }
0x2b: {  	v3 =	vld [tilespmem:s30+$0xFFFFFF10];
	[tilespmem:s26+$0xFFFFFF90] =	vst v1  }
0x2c: {  	[tilespmem:s26+$0x90] =	vst v0;
	v1 =	vld [tilespmem:s30+$0xFFFFFFA0]  }
0x2d: {  	[tilespmem:s26+$0x10] =	vst v2;
	v0 =	vld [tilespmem:s30+$0xA0]  }
0x2e: {  	s29 =	simm.s32 $0xCD00;
	v2 =	vld [tilespmem:s30+$0x20]  }
0x2f: {  	v5 =	vld [tilespmem:s28+$0xFFFFFF80];
	[tilespmem:s29+$0x80] =	vst v4  }
0x30: {  	v4 =	vld [tilespmem:s28+$0x90];
	[tilespmem:s26+$0xFFFFFF10] =	vst v3  }
0x31: {  	[tilespmem:s26+$0xFFFFFFA0] =	vst v1;
	v1 =	vld [tilespmem:s28+$0x0]  }
0x32: {  	v3 =	vld [tilespmem:s28+$0xFFFFFF00];
	[tilespmem:s26+$0xA0] =	vst v0  }
0x33: {  	[tilespmem:s26+$0x20] =	vst v2;
	v2 =	vld [tilespmem:s30+$0xFFFFFF20]  }
0x34: {  	[tilespmem:s29+$0xFFFFFF80] =	vst v5;
	v0 =	vld [tilespmem:s30+$0xB0]  }
0x35: {  	v5 =	vld [tilespmem:s28+$0xFFFFFF90];
	[tilespmem:s29+$0x90] =	vst v4  }
0x36: {  	[tilespmem:s29+$0x0] =	vst v1;
	v1 =	vld [tilespmem:s30+$0xFFFFFFB0]  }
0x37: {  	[tilespmem:s29+$0xFFFFFF00] =	vst v3;
	v6 =	vld [tilespmem:s28+$0x10]  }
0x38: {  	v7 =	vld [tilespmem:s28+$0xFFFFFF10];
	[tilespmem:s26+$0xFFFFFF20] =	vst v2  }
0x39: {  	[tilespmem:s26+$0xB0] =	vst v0;
	v0 =	vld [tilespmem:s30+$0xFFFFFF30]  }
0x3a: {  	[tilespmem:s29+$0xFFFFFF90] =	vst v5;
	v2 =	vld [tilespmem:s28+$0xA0]  }
0x3b: {  	v3 =	vld [tilespmem:s28+$0xFFFFFFA0];
	[tilespmem:s26+$0xFFFFFFB0] =	vst v1  }
0x3c: {  	v1 =	vld [tilespmem:s30+$0x30];
	[tilespmem:s29+$0x10] =	vst v6  }
0x3d: {  	s31 =	simm.s32 $0x700;
	[tilespmem:s29+$0xFFFFFF10] =	vst v7;
	s30 =	simm.s32 $0x4;
	v4 =	vld [tilespmem:s28+$0x20]  }
.LBB2_3:
0x3e: {  	v5 =	vld [tilespmem:s31+$0x80];
	s30 =	sadd.s32 $0x4, s30;
	[tilespmem:s26+$0xFFFFFF30] =	vst v0  }
0x3f: {  	v0 =	vld [tilespmem:s31+$0xFFFFFF80];
	p1 =	slt.u32 s30, $0xC4;
	[tilespmem:s29+$0xA0] =	vst v2  }
0x40: {  	[tilespmem:s29+$0xFFFFFFA0] =	vst v3;
	v2 =	vld [tilespmem:s28+$0xB0]  }
0x41: {  	v3 =	vld [tilespmem:s31+$0x0];
	[tilespmem:s26+$0x30] =	vst v1;
	s26 =	smov.u32 s29  }
0x42: {  	s29 =	sadd.s32 $0x200, s29;
	v1 =	vld [tilespmem:s31+$0xFFFFFF00];
	[tilespmem:s26+$0x20] =	vst v4  }
0x43: {  	[tilespmem:s29+$0x80] =	vst v5;
	v4 =	vld [tilespmem:s28+$0xFFFFFF20]  }
0x44: {  	[tilespmem:s29+$0xFFFFFF80] =	vst v0;
	v0 =	vld [tilespmem:s31+$0x90]  }
0x45: {  	v5 =	vld [tilespmem:s31+$0xFFFFFF90];
	[tilespmem:s26+$0xB0] =	vst v2  }
0x46: {  	[tilespmem:s29+$0x0] =	vst v3;
	v6 =	vld [tilespmem:s28+$0xFFFFFFB0]  }
0x47: {  	[tilespmem:s29+$0xFFFFFF00] =	vst v1;
	v1 =	vld [tilespmem:s31+$0x10]  }
0x48: {  	v7 =	vld [tilespmem:s31+$0xFFFFFF10];
	[tilespmem:s26+$0xFFFFFF20] =	vst v4  }
.Ltmp0:
0x49: {  	[tilespmem:s29+$0x90] =	vst v0;
	v0 =	vld [tilespmem:s28+$0xFFFFFF30];
	(pc) =	sbr.rel @p1 .LBB2_3-.Ltmp0, $4  }
0x4a: {  	[tilespmem:s29+$0xFFFFFF90] =	vst v5;
	v2 =	vld [tilespmem:s31+$0xA0]  }
0x4b: {  	v3 =	vld [tilespmem:s31+$0xFFFFFFA0];
	[tilespmem:s26+$0xFFFFFFB0] =	vst v6  }
0x4c: {  	[tilespmem:s29+$0x10] =	vst v1;
	v1 =	vld [tilespmem:s28+$0x30];
	s28 =	smov.u32 s31  }
0x4d: {  	s31 =	sadd.s32 $0x200, s31;
	[tilespmem:s29+$0xFFFFFF10] =	vst v7;
	v4 =	vld [tilespmem:s28+$0x20]  }
0x4e: {  	v5 =	vld [tilespmem:s28+$0xFFFFFF20];
	_ =	sdelay $0x1  }
0x4f: {  	[tilespmem:s29+$0xA0] =	vst v2  }
0x50: {  	[tilespmem:s29+$0xFFFFFFA0] =	vst v3;
	v2 =	vld [tilespmem:s28+$0xB0]  }
0x51: {  	v3 =	vld [tilespmem:s28+$0xFFFFFFB0];
	[tilespmem:s29+$0x20] =	vst v4  }
0x52: {  	[tilespmem:s29+$0xFFFFFF20] =	vst v5;
	v63 =	vld [tilespmem:s28+$0x30]  }
0x53: {  	[tilespmem:s26+$0xFFFFFF30] =	vst v0;
	v62 =	vld [tilespmem:s28+$0xFFFFFF30]  }
0x54: {  	p1 =	sne.s32 s23, $0x3F;
	[tilespmem:s26+$0x30] =	vst v1  }
.Ltmp1:
0x55: {  	[tilespmem:s29+$0xB0] =	vst v2;
	(pc) =	sbr.rel @p1 .LBB2_6-.Ltmp1, $4  }
0x56: {  	s31 =	sadd.s32 s4, s25;
	[tilespmem:s29+$0xFFFFFFB0] =	vst v3  }
0x57: {  	s26 =	sshll.u32 s31, $0x4;
	[tilespmem:s29+$0x30] =	vst v63  }
0x58: {  	s26 =	sadd.s32 s6, s26;
	[tilespmem:s29+$0xFFFFFF30] =	vst v62  }
0x59: {  	[hbm4b:s26+s3] =	stream.linear.scatter [tilespmem:s17], [sflag:$0x3], $0x6400, $0x38;
	[tilespmem:$0x19200] =	vst v63  }
.Ltmp2:
0x5a: {  	(pc) =	sbr.rel .LBB2_7-.Ltmp2, $4  }
0x5b: {  	_ = 	snop  }
0x5c: {  	_ =	swait.ge [sflag:s18], $0x6400  }
0x5d: {  	[sflag:s18] =	ssyncset.done $0x0  }
0x5e: {  	[sflag:s18] =	ssyncadd.s32 $0xFFFF9C00  }
.LBB2_6:
0x5f: {  	s25 =	sadd.s32 s25, s9  }
0x60: {  	s25 =	sshrl.u32 s25, $0x3  }
0x61: {  	s25 =	sadd.s32 s2, s25  }
0x62: {  	[tilespmem:s3], [sflag:$0x5] =	stream.linear.gather [hbm4b:s25+s3], $0xC8, $0x38;
	[tilespmem:$0x19200] =	vst v63  }
0x63: {  	_ =	swait.ge [sflag:s11], $0xC8  }
0x64: {  	[sflag:s11] =	ssyncset.done $0x0  }
.Ltmp3:
0x65: {  	[sflag:s11] =	ssyncadd.s32 $0xFFFFFF38;
	(pc) =	sbr.rel @p0 .LBB2_8-.Ltmp3, $4  }
0x66: {  	[tilespmem:s13], [sflag:$0x1] =	stream.indirect.gather [hbm4b:s5+s12], $0x80, s3, s12, $0xb8;
	[tilespmem:$0x19200] =	vst v63  }
0x67: {  	_ =	swait.ge [sflag:s18], $0x6400  }
0x68: {  	[sflag:s18] =	ssyncset.done $0x0  }
0x69: {  	[sflag:s18] =	ssyncadd.s32 $0xFFFF9C00  }
.LBB2_7:
0x6a: {  	_ =	swait.ge [sflag:s19], $0x6400  }
0x6b: {  	[sflag:s19] =	ssyncset.done $0x0  }
0x6c: {  	[sflag:s19] =	ssyncadd.s32 $0xFFFF9C00  }
.LBB2_8:
0x6d: {  	s29 =	simm.s32 $0x6700  }
0x6e: {  	v1 =	vld [tilespmem:s29+$0xFFFFFF80]  }
0x6f: {  	v0 =	vld [tilespmem:s29+$0x80]  }
0x70: {  	v2 =	vld [tilespmem:s29+$0x0];
	_ =	sdelay $0x1  }
0x71: {  	s25 =	simm.s32 $0x12F00  }
0x72: {  	v3 =	vld [tilespmem:s29+$0xFFFFFF00];
	[tilespmem:s25+$0xFFFFFF80] =	vst v1  }
0x73: {  	[tilespmem:s25+$0x80] =	vst v0;
	v1 =	vld [tilespmem:s29+$0xFFFFFF90]  }
0x74: {  	[tilespmem:s25+$0x0] =	vst v2;
	v0 =	vld [tilespmem:s29+$0x90]  }
0x75: {  	v2 =	vld [tilespmem:s29+$0x10]  }
0x76: {  	s26 =	simm.s32 $0x6900  }
0x77: {  	v4 =	vld [tilespmem:s26+$0x80];
	[tilespmem:s25+$0xFFFFFF00] =	vst v3  }
0x78: {  	v3 =	vld [tilespmem:s29+$0xFFFFFF10];
	[tilespmem:s25+$0xFFFFFF90] =	vst v1  }
0x79: {  	[tilespmem:s25+$0x90] =	vst v0;
	v1 =	vld [tilespmem:s29+$0xFFFFFFA0]  }
0x7a: {  	[tilespmem:s25+$0x10] =	vst v2;
	v0 =	vld [tilespmem:s29+$0xA0]  }
0x7b: {  	s28 =	simm.s32 $0x13100;
	v2 =	vld [tilespmem:s29+$0x20]  }
0x7c: {  	v5 =	vld [tilespmem:s26+$0xFFFFFF80];
	[tilespmem:s28+$0x80] =	vst v4  }
0x7d: {  	v4 =	vld [tilespmem:s26+$0x90];
	[tilespmem:s25+$0xFFFFFF10] =	vst v3  }
0x7e: {  	[tilespmem:s25+$0xFFFFFFA0] =	vst v1;
	v1 =	vld [tilespmem:s26+$0x0]  }
0x7f: {  	v3 =	vld [tilespmem:s26+$0xFFFFFF00];
	[tilespmem:s25+$0xA0] =	vst v0  }
0x80: {  	[tilespmem:s25+$0x20] =	vst v2;
	v2 =	vld [tilespmem:s29+$0xFFFFFF20]  }
0x81: {  	[tilespmem:s28+$0xFFFFFF80] =	vst v5;
	v0 =	vld [tilespmem:s29+$0xB0]  }
0x82: {  	v5 =	vld [tilespmem:s26+$0xFFFFFF90];
	[tilespmem:s28+$0x90] =	vst v4  }
0x83: {  	[tilespmem:s28+$0x0] =	vst v1;
	v1 =	vld [tilespmem:s29+$0xFFFFFFB0]  }
0x84: {  	[tilespmem:s28+$0xFFFFFF00] =	vst v3;
	v6 =	vld [tilespmem:s26+$0x10]  }
0x85: {  	v7 =	vld [tilespmem:s26+$0xFFFFFF10];
	[tilespmem:s25+$0xFFFFFF20] =	vst v2  }
0x86: {  	[tilespmem:s25+$0xB0] =	vst v0;
	v0 =	vld [tilespmem:s29+$0xFFFFFF30]  }
0x87: {  	[tilespmem:s28+$0xFFFFFF90] =	vst v5;
	v2 =	vld [tilespmem:s26+$0xA0]  }
0x88: {  	v3 =	vld [tilespmem:s26+$0xFFFFFFA0];
	[tilespmem:s25+$0xFFFFFFB0] =	vst v1  }
0x89: {  	v1 =	vld [tilespmem:s29+$0x30];
	[tilespmem:s28+$0x10] =	vst v6  }
0x8a: {  	s30 =	simm.s32 $0x6B00;
	[tilespmem:s28+$0xFFFFFF10] =	vst v7;
	s29 =	simm.s32 $0x4;
	v4 =	vld [tilespmem:s26+$0x20]  }
.LBB2_9:
0x8b: {  	v5 =	vld [tilespmem:s30+$0x80];
	s29 =	sadd.s32 $0x4, s29;
	[tilespmem:s25+$0xFFFFFF30] =	vst v0  }
0x8c: {  	v0 =	vld [tilespmem:s30+$0xFFFFFF80];
	p0 =	slt.u32 s29, $0xC4;
	[tilespmem:s28+$0xA0] =	vst v2  }
0x8d: {  	[tilespmem:s28+$0xFFFFFFA0] =	vst v3;
	v2 =	vld [tilespmem:s26+$0xB0]  }
0x8e: {  	v3 =	vld [tilespmem:s30+$0x0];
	[tilespmem:s25+$0x30] =	vst v1;
	s25 =	smov.u32 s28  }
0x8f: {  	s28 =	sadd.s32 $0x200, s28;
	v1 =	vld [tilespmem:s30+$0xFFFFFF00];
	[tilespmem:s25+$0x20] =	vst v4  }
0x90: {  	[tilespmem:s28+$0x80] =	vst v5;
	v4 =	vld [tilespmem:s26+$0xFFFFFF20]  }
0x91: {  	[tilespmem:s28+$0xFFFFFF80] =	vst v0;
	v0 =	vld [tilespmem:s30+$0x90]  }
0x92: {  	v5 =	vld [tilespmem:s30+$0xFFFFFF90];
	[tilespmem:s25+$0xB0] =	vst v2  }
0x93: {  	[tilespmem:s28+$0x0] =	vst v3;
	v6 =	vld [tilespmem:s26+$0xFFFFFFB0]  }
0x94: {  	[tilespmem:s28+$0xFFFFFF00] =	vst v1;
	v1 =	vld [tilespmem:s30+$0x10]  }
0x95: {  	v7 =	vld [tilespmem:s30+$0xFFFFFF10];
	[tilespmem:s25+$0xFFFFFF20] =	vst v4  }
.Ltmp4:
0x96: {  	[tilespmem:s28+$0x90] =	vst v0;
	v0 =	vld [tilespmem:s26+$0xFFFFFF30];
	(pc) =	sbr.rel @p0 .LBB2_9-.Ltmp4, $4  }
0x97: {  	[tilespmem:s28+$0xFFFFFF90] =	vst v5;
	v2 =	vld [tilespmem:s30+$0xA0]  }
0x98: {  	v3 =	vld [tilespmem:s30+$0xFFFFFFA0];
	[tilespmem:s25+$0xFFFFFFB0] =	vst v6  }
0x99: {  	[tilespmem:s28+$0x10] =	vst v1;
	v1 =	vld [tilespmem:s26+$0x30];
	s26 =	smov.u32 s30  }
0x9a: {  	s30 =	sadd.s32 $0x200, s30;
	[tilespmem:s28+$0xFFFFFF10] =	vst v7;
	v4 =	vld [tilespmem:s26+$0x20]  }
0x9b: {  	v5 =	vld [tilespmem:s26+$0xFFFFFF20];
	_ =	sdelay $0x1  }
0x9c: {  	[tilespmem:s28+$0xA0] =	vst v2  }
0x9d: {  	[tilespmem:s28+$0xFFFFFFA0] =	vst v3;
	v2 =	vld [tilespmem:s26+$0xB0]  }
0x9e: {  	v3 =	vld [tilespmem:s26+$0xFFFFFFB0];
	[tilespmem:s28+$0x20] =	vst v4  }
0x9f: {  	[tilespmem:s28+$0xFFFFFF20] =	vst v5;
	v63 =	vld [tilespmem:s26+$0x30]  }
0xa0: {  	[tilespmem:s25+$0xFFFFFF30] =	vst v0;
	s23 =	sadd.s32 $0x1, s23;
	v62 =	vld [tilespmem:s26+$0xFFFFFF30]  }
0xa1: {  	p0 =	sne.s32 s23, $0x40;
	[tilespmem:s25+$0x30] =	vst v1  }
.Ltmp5:
0xa2: {  	[tilespmem:s28+$0xB0] =	vst v2;
	(pc) =	sbr.rel @p0 .LBB2_2-.Ltmp5, $4  }
0xa3: {  	[tilespmem:s28+$0xFFFFFFB0] =	vst v3  }
0xa4: {  	s24 =	sshll.u32 s24, $0x4;
	[tilespmem:s28+$0x30] =	vst v63  }
0xa5: {  	s24 =	sadd.s32 s6, s24;
	[tilespmem:s28+$0xFFFFFF30] =	vst v62  }
0xa6: {  	[hbm4b:s24+s3] =	stream.linear.scatter [tilespmem:s20], [sflag:$0x4], $0x6400, $0x38;
	[tilespmem:$0x19200] =	vst v63  }
0xa7: {  	s22 =	sadd.s32 $0x1, s22  }
0xa8: {  	_ =	swait.ge [sflag:s21], $0x6400;
	p0 =	sne.s32 s22, s10  }
.Ltmp6:
0xa9: {  	[sflag:s21] =	ssyncset.done $0x0;
	(pc) =	sbr.rel @p0 .LBB2_1-.Ltmp6, $4  }
0xaa: {  	[sflag:s21] =	ssyncadd.s32 $0xFFFF9C00  }
0xab: {  	_ =	swait.ge [sflag:s19], $0x6400  }
0xac: {  	[sflag:s19] =	ssyncset.done $0x0  }
0xad: {  	[sflag:s19] =	ssyncadd.s32 $0xFFFF9C00  }
0xae: {  	_ =	sfence.sel $0x180000  }
0xaf: {  	[bflag:$0x0] =	sbarrier.arrive $0xFFFF  }
0xb0: {  	p0 =	sne.s32 s0, $0x0;
	_ =	strace $0x90000047  }
0xb1: {  	s0 =	sadd.s32 @!p0 $0x100000, s1;
	[bflag:$0x2] =	sbarrier.arrive $0xFFFF  }
0xb2: {  	[sflag:s0] =	ssyncadd.tile.s32 @!p0 $0x1;
	_ =	shalt  }
.Lfunc_end2:
_tile_overlayer_lowered:
.L_overlay_start_2:
0xb3: {  	(tag) =	ssettag $0x2  }
0xb4: {  	s0 =	rddreg [dreg:$0x0];
	s2 =	stileid.u32  }
0xb5: {  	s1 =	rddreg [dreg:$0x1];
	p0 =	sne.s32 s2, $0x0  }
0xb6: {  	s3 =	rddreg [dreg:$0x2];
	[bflag:$0x3] =	sbarrier.arrive $0xFFFF;
	s2 =	simm.s32 @!p0 $0x1C05  }
0xb7: {  	[timem:s3], [sflag:s2] =	dma.local @!p0 [hbm:s0], s1  }
0xb8: {  	s0 =	simm.s32 @!p0 $0x5  }
0xb9: {  	_ =	swait.ge @!p0 [sflag:s0], s1  }
0xba: {  	s1 =	ssub.s32 @!p0 $0x0, s1;
	[sflag:s0] =	ssyncset.done @!p0 $0x0  }
0xbb: {  	[sflag:s0] =	ssyncadd.s32 @!p0 s1  }
0xbc: {  	[bflag:$0x3] =	sbarrier.arrive $0xFFFF  }
0xbd: {  	_ =	shalt  }

// kernel: sparse-core-data-format-call.cloned.1.call-start
scs
called_computation_lowered:
.L_overlay_start_0:
0x0: {  	s2 =	sld [smem:$0x3FD9]  }
0x1: {  	s3 =	sld [smem:$0x3FFE];
	_ =	sdelay $0x1  }
0x2: {  	s1 =	srdreg.scid  }
0x3: {  	s0 =	sand.u32 $0x1, s1  }
0x4: {  	s15 =	sshll.u32 s0, $0xA;
	s2 =	sadd.s32 s3, s2  }
0x5: {  	s2 =	sadd.s32 s2, s15  }
0x6: {  	[smem:$0x3FC5] =	sst s2  }
0x7: {  	_ = 	snop  }
0x8: {  	s2 =	sld [smem:$0x3FD0];
	_ =	sdelay $0x2  }
0x9: {  	s16 =	simm.s32 $0xA;
	s4 =	simm.s32 $0x10  }
0xa: {  	[smem:s4], [sflag:s16] =	dma.local [hbm:s2], $0x1  }
0xb: {  	_ =	swait.eq [sflag:s16], $0x1  }
0xc: {  	[sflag:s16] =	ssyncset.done $0x0  }
0xd: {  	[sflag:s16] =	ssyncadd.s32 $0xFFFFFFFF  }
0xe: {  	s17 =	sld [smem:$0x10];
	(tm) =	ssettm $0x1  }
0xf: {  	s18 =	sld [smem:$0x3FFB];
	_ =	sdelay $0x3  }
0x10: {  	_ =	strace s18  }
0x11: {  	s3 =	sld [smem:$0x3FFC];
	_ =	sdelay $0x3  }
0x12: {  	_ =	strace s3  }
0x13: {  	s3 =	sld [smem:$0x3FFD];
	_ =	sdelay $0x3  }
0x14: {  	_ =	strace s3  }
0x15: {  	_ =	strace $0x8FFFFFFF  }
0x16: {  	s19 =	sld [smem:$0x3FDB];
	_ =	sdelay $0x1  }
0x17: {  	s20 =	simm.s32 $_scs_section_size  }
0x18: {  	s5 =	simm.s32 $_size__tile_overlayer_lowered;
	s6 =	simm.s32 $_tile_overlayer_lowered  }
0x19: {  	s23 =	simm.s32 $0x1BFF;
	s22 =	sshll.u32 s6, $0x1;
	s3 =	sadd.s32 s20, s19  }
0x1a: {  	s7 =	simm.s32 $0x0;
	s21 =	sshll.u32 s5, $0x1;
	s5 =	sadd.s32 s22, s3  }
0x1b: {  	[timem:s7], [sflag:s23] =	dma.local [hbm:s5], s21  }
0x1c: {  	_ =	swait.ge [sflag:s23], s21  }
0x1d: {  	s4 =	ssub.s32 $0x0, s21;
	[sflag:s23] =	ssyncset.done $0x0  }
0x1e: {  	[sflag:s23] =	ssyncadd.s32 s4;
	_ =	sdelay $0x1  }
0x1f: {  	s24 =	simm.s32 $0x1B8B  }
0x20: {  	_ =	swait.ge [sflag:s24], $0x1  }
0x21: {  	[sflag:s24] =	ssyncset.done $0x0  }
0x22: {  	s26 =	simm.s32 $0x1B8E;
	s25 =	sld [smem:$0x3FFE];
	[sflag:s24] =	ssyncadd.s32 $0xFFFFFFFF  }
0x23: {  	s27 =	simm.s32 $execute0_lowered;
	[smem:$0x3FD2] =	sst s26  }
0x24: {  	s5 =	sshll.u32 s27, $0x1;
	_ =	strace $0x80000049;
	[dreg:$0x1] =	wrdreg $0xFFFFFFFF  }
0x25: {  	s28 =	simm.s32 $_size_execute0_lowered;
	s3 =	sadd.s32 s3, s5;
	[dreg:$0x0] =	wrdreg $0x0  }
0x26: {  	s5 =	sshll.u32 s28, $0x1;
	[dreg:$0x2] =	wrdreg s3  }
0x27: {  	[dreg:$0x3] =	wrdreg s5  }
0x28: {  	[dreg:$0x4] =	wrdreg $0xC0  }
0x29: {  	_ =	task [dreg:s7], $0x5FFFF  }
0x2a: {  	[dreg:$0x1] =	wrdreg $0xFFFFFFFF  }
0x2b: {  	[dreg:$0x0] =	wrdreg $0x60  }
0x2c: {  	[dreg:$0x2] =	wrdreg s25  }
0x2d: {  	[dreg:$0x3] =	wrdreg s17  }
0x2e: {  	[dreg:$0x4] =	wrdreg $0x9  }
0x2f: {  	_ =	task.clear_ibuf [dreg:s7], $0x5FFFF;
	_ =	strace $0x90000049  }
0x30: {  	s29 =	simm.s32 $0x9;
	_ =	strace $0x8000004B  }
0x31: {  	_ =	swait.ge [sflag:s29], $0x1  }
0x32: {  	[sflag:s29] =	ssyncadd.s32 $0xFFFFFFFF  }
0x33: {  	_ =	strace $0x9000004B  }
0x34: {  	_ =	sfence  }
0x35: {  	s30 =	sld [smem:$0x0];
	_ =	sdelay $0x2  }
0x36: {  	s31 =	sshll.u32 s1, $0xD;
	s1 =	sshrl.u32 s1, $0x2  }
0x37: {  	s3 =	sand.u32 $0x4000, s31;
	s1 =	sadd.s32 s1, s30  }
0x38: {  	s0 =	sor.u32 s3, s0;
	s1 =	sshll.u32 s1, $0x11  }
0x39: {  	s0 =	sor.u32 s1, s0  }
0x3a: {  	s0 =	sadd.s32 $0x8F2B, s0  }
0x3b: {  	[sflag:s0] =	ssyncadd.remote.s32 $0x1  }
0x3c: {  	_ =	sfence.sel $0xFFFF  }
0x3d: {  	[dreg:$0x0] =	wrdreg $0xFFFFFFFF;
	(pc) =	sbr.abs _section_cstart, $3  }
0x3e: {  	[dreg:$0x1] =	wrdreg $0xFFFFFFFF  }
0x3f: {  	_ =	task.clear_ibuf [dreg:s7], $0x2FFFF;
	_ =	strace $0x9FFFFFFF  }
0x40: {  	(tm) =	ssettm $0x7FFFFFFF  }
0x41: {  	_ =	shalt  }
tec
execute0_lowered:
.L_overlay_start_1:
0x0: {  	(tag) =	ssettag $0x1  }
0x1: {  	s0 =	srdreg.scid  }
0x2: {  	s1 =	sshll.u32 s0, $0x4  }
0x3: {  	s0 =	stileid.u32;
	s1 =	sand.u32 $0x10, s1  }
0x4: {  	s1 =	sor.u32 s0, s1  }
0x5: {  	s6 =	rddreg [dreg:$0x0];
	s4 =	simm.s32 $0x1;
	s2 =	sshll.u32 s1, $0x7  }
0x6: {  	s7 =	simm.s32 $0x2;
	s12 =	simm.s32 $0x0;
	s1 =	ssub.s32 $0x1000, s2  }
0x7: {  	s8 =	simm.s32 $0x8000;
	s13 =	simm.s32 $0x0;
	s3 =	sand.u32 $0xF80, s1  }
0x8: {  	s9 =	simm.s32 $0x0;
	s5 =	sshrl.u32 s1, $0xC;
	p0 =	sne.s32 s3, $0x0  }
.Ltmp0:
0x9: {  	s1 =	rddreg [dreg:$0x2];
	s4 =	simm.s32 @!p0 $0x0;
	(pc) =	sbr.rel .LBB1_1-.Ltmp0, $4  }
0xa: {  	s11 =	simm.s32 $0x0;
	s3 =	rddreg [dreg:$0x1];
	s5 =	sadd.s32 s4, s5  }
0xb: {  	_ =	strace $0x8000004A;
	s4 =	simm.s32 $0x1;
	s5 =	smul.u32 $0xC8, s5  }
0xc: {  	s6 =	sadd.s32 $0x187600, s6;
	s10 =	smov.u32 s2;
	[sflag:s4] =	ssyncpa.u1 $0x0  }
0xd: {  	p0 =	por $0x0, $0x0;
	[sflag:s7] =	ssyncpa.u1 $0x0;
	s7 =	sor.u32 $0x1, s5  }
.LBB1_4:
0xe: {  	s16 =	sshll.u32 s13, $0x3;
	s17 =	sand.u32 $0x78, s13  }
0xf: {  	s30 =	sand.u32 $0x7E00, s13;
	s12 =	sshll.u32 s12, $0xF;
	s16 =	sand.u32 $0xC00, s16  }
0x10: {  	[tilespmem:s15+$0x810 ss:$0x81] =	vst.msk $0xffff, v2;
	s31 =	sand.u32 $0x7, s13;
	s16 =	sor.u32 s17, s16;
	s17 =	sadd.s32 s3, s30  }
0x11: {  	[tilespmem:s15+$0x1020 ss:$0x81] =	vst.msk $0xffff, v0;
	s13 =	sshll.u32 s31, $0x12;
	s12 =	sadd.s32 s12, s17;
	s16 =	sshrl.u32 s16, $0x3  }
0x12: {  	[tilespmem:s15+$0x0 ss:$0x81] =	vst.msk $0xffff, v1;
	s13 =	sor.u32 $0x400, s13;
	s12 =	sadd.s32 s16, s12  }
0x13: {  	[hbm4b:s12+s13] =	stream.strided.scatter [tilespmem:s14], [sflag:$0x2], $0x2000, s8, s13, $0x20;
	[tilespmem:$0x8080] =	vst v63  }
.LBB1_5:
0x14: {  	s14 =	sadd.s32 $0x1, s9  }
0x15: {  	s12 =	sadd.s32 $0x1000, s10;
	s16 =	smov.u32 s10;
	p2 =	sgt.s32 s14, $0xC7  }
0x16: {  	s16 =	smov.u32 @p2 s12  }
0x17: {  	s14 =	simm.s32 @p2 $0x0;
	p2 =	sgt.s32 s16, $0xFFF  }
0x18: {  	s16 =	smov.u32 @p2 s2;
	p2 =	sne.s32 s11, s7  }
.Ltmp1:
0x19: {  	p1 =	slt.u32 s11, $0x2;
	(pc) =	sbr.rel @!p2 .LBB1_6-.Ltmp1, $4  }
0x1a: {  	s15 =	simm.s32 @!p1 $0x2  }
0x1b: {  	s13 =	smov.u32 s10;
	p0 =	por !p0, !p0;
	_ =	swait.ge @!p1 [sflag:s15], $0x2000  }
0x1c: {  	s12 =	smov.u32 s9;
	[sflag:s15] =	ssyncset.done @!p1 $0x0;
	s9 =	smov.u32 s14  }
0x1d: {  	s11 =	sadd.s32 $0x1, s11;
	[sflag:s15] =	ssyncadd.s32 @!p1 $0xFFFFE000;
	s10 =	smov.u32 s16  }
.LBB1_1:
0x1e: {  	p1 =	sge.u32 s11, s5  }
0x1f: {  	s14 =	sand.u32 @!p1 $0x1FFFFFF, s9  }
0x20: {  	s15 =	smulhi.u32 @!p1 $0x147AE15, s14;
	_ =	sdelay $0x1  }
0x21: {  	s15 =	smul.u32 @!p1 $0xC8, s15  }
0x22: {  	s16 =	sxor.u32 @!p1 $0xFFFFFFFF, s11;
	s17 =	smul.u32 @!p1 $0xC80, s10  }
0x23: {  	s31 =	sadd.s32 $0xFFFFFFFF, s11;
	s16 =	sshll.u32 @!p1 s16, $0xD;
	s14 =	ssub.s32 @!p1 s14, s15  }
0x24: {  	s15 =	sand.u32 @!p1 $0x2000, s16;
	s16 =	sadd.s32 @!p1 s6, s17;
	s14 =	sshll.u32 @!p1 s14, $0x4  }
0x25: {  	s17 =	simm.s32 @!p1 $0x6400;
	s14 =	sadd.s32 @!p1 s14, s16;
	s16 =	simm.s32 @!p1 $0x40  }
0x26: {  	[tilespmem:s15], [sflag:$0x1] =	stream.strided.gather @!p1 [hbm4b:s14+s16], $0x2000, s17, s16, $0x38;
	[tilespmem:$0x8080] =	vst v63  }
0x27: {  	p1 =	sge.u32 s31, s5  }
.Ltmp2:
0x28: {  	_ = 	snop;
	(pc) =	sbr.rel @p1 .LBB1_5-.Ltmp2, $1  }
0x29: {  	_ =	sdelay $0x3  }
0x2a: {  	s14 =	simm.s32 $0x1  }
0x2b: {  	_ =	swait.ge [sflag:s4], $0x2000;
	s14 =	simm.s32 @!p0 $0x0  }
0x2c: {  	[sflag:s4] =	ssyncset.done $0x0;
	s15 =	sshll.u32 s14, $0xD  }
0x2d: {  	[sflag:s4] =	ssyncadd.s32 $0xFFFFE000;
	s18 =	sor.u32 $0x20, s15  }
0x2e: {  	s14 =	smul.u32 $0x8100, s14;
	v3 =	vld [tilespmem:s18+$0x10]  }
0x2f: {  	s30 =	sand.u32 $0x1, s11;
	v2 =	vld [tilespmem:s18+$0xFFFFFFF0]  }
0x30: {  	s15 =	smul.u32 $0x8100, s30;
	s14 =	sshrl.u32 s14, $0x2;
	v0 =	vld [tilespmem:s18+$0x0]  }
0x31: {  	v1 =	vld [tilespmem:s18+$0xFFFFFFE0];
	s16 =	sor.u32 $0x4000, s14  }
0x32: {  	s31 =	sshrl.u32 s15, $0x2;
	s15 =	sadd.s32 $0x0, s16  }
0x33: {  	s17 =	simm.s32 $0x4;
	s18 =	sadd.s32 $0x40, s18;
	s14 =	sor.u32 $0x4000, s31;
	[tilespmem:s15+$0x1830 ss:$0x81] =	vst.msk $0xffff, v3  }
.LBB1_3:
0x34: {  	v3 =	vld [tilespmem:s18+$0x10];
	p1 =	sne.s32 s17, $0x1FC;
	[tilespmem:s15+$0x810 ss:$0x81] =	vst.msk $0xffff, v2;
	s19 =	smov.u32 s17;
	s17 =	sadd.s32 $0x4, s17  }
.Ltmp3:
0x35: {  	v2 =	vld [tilespmem:s18+$0xFFFFFFF0];
	[tilespmem:s15+$0x1020 ss:$0x81] =	vst.msk $0xffff, v0;
	(pc) =	sbr.rel @p1 .LBB1_3-.Ltmp3, $4  }
0x36: {  	v0 =	vld [tilespmem:s18+$0x0];
	[tilespmem:s15+$0x0 ss:$0x81] =	vst.msk $0xffff, v1  }
0x37: {  	s15 =	sshra.s32 s19, $0x2;
	v1 =	vld [tilespmem:s18+$0xFFFFFFE0]  }
0x38: {  	s15 =	sadd.s32 s15, s16  }
0x39: {  	s18 =	sadd.s32 $0x40, s18;
	[tilespmem:s15+$0x1830 ss:$0x81] =	vst.msk $0xffff, v3  }
.Ltmp4:
0x3a: {  	_ = 	snop;
	(pc) =	sbr.rel .LBB1_4-.Ltmp4, $1  }
0x3b: {  	_ =	sdelay $0x3  }
.LBB1_6:
0x3c: {  	_ =	sfence.sel $0x180000  }
0x3d: {  	s2 =	simm.s32 $0x1;
	[bflag:$0x0] =	sbarrier.arrive $0xFFFF  }
0x3e: {  	s31 =	simm.s32 $0x2;
	[sflag:s2] =	ssyncpa.u1 $0x1  }
0x3f: {  	[sflag:s31] =	ssyncpa.u1 $0x1  }
0x40: {  	p0 =	sne.s32 s0, $0x0;
	_ =	strace $0x9000004A  }
0x41: {  	s0 =	sadd.s32 @!p0 $0x100000, s1;
	[bflag:$0x2] =	sbarrier.arrive $0xFFFF  }
0x42: {  	[sflag:s0] =	ssyncadd.tile.s32 @!p0 $0x1;
	_ =	shalt  }
.Lfunc_end1:
_tile_overlayer_lowered:
.L_overlay_start_2:
0x43: {  	(tag) =	ssettag $0x2  }
0x44: {  	s0 =	rddreg [dreg:$0x0];
	s2 =	stileid.u32  }
0x45: {  	s1 =	rddreg [dreg:$0x1];
	p0 =	sne.s32 s2, $0x0  }
0x46: {  	s3 =	rddreg [dreg:$0x2];
	[bflag:$0x3] =	sbarrier.arrive $0xFFFF;
	s2 =	simm.s32 @!p0 $0x1C01  }
0x47: {  	[timem:s3], [sflag:s2] =	dma.local @!p0 [hbm:s0], s1  }
0x48: {  	s0 =	simm.s32 @!p0 $0x1  }
0x49: {  	_ =	swait.ge @!p0 [sflag:s0], s1  }
0x4a: {  	s1 =	ssub.s32 @!p0 $0x0, s1;
	[sflag:s0] =	ssyncset.done @!p0 $0x0  }
0x4b: {  	[sflag:s0] =	ssyncadd.s32 @!p0 s1  }
0x4c: {  	[bflag:$0x3] =	sbarrier.arrive $0xFFFF  }
0x4d: {  	_ =	shalt  }

</sc_bundles>
